<compile_context>
chip_gen: v7x
topology: tpu7x:2x2x1
jax: 0.10.2.dev20260603
libtpu: 0.0.44.dev20260713+nightly
codegen_flags: <defaults>
</compile_context>

<pallas_src>
import functools

import jax
import jax.numpy as jnp
from jax import lax
from jax.experimental import pallas as pl
from jax.experimental.pallas import tpu as pltpu
from jax.experimental.pallas import tpu_sc as plsc

_NUM_CODES = 1024
_EMBED = 256
_ROWS = 16 * 576
_GRID = 2
_BLK = _ROWS // _GRID


def _tc_body(x_ref, w_ref, idx_ref, loss_ref):
    i = pl.program_id(0)
    x = x_ref[...]
    w = w_ref[...]
    row_norm = jnp.sum(x * x, axis=1, keepdims=True)
    code_norm = jnp.sum(w * w, axis=1)
    mm2 = lax.dot_general(x, w + w, (((1,), (1,)), ((), ())),
                          preferred_element_type=jnp.float32)
    scores = (row_norm + code_norm[None, :]) - mm2
    mins = jnp.min(scores, axis=1, keepdims=True)
    iota = lax.broadcasted_iota(jnp.int32, scores.shape, 1)
    cand = jnp.where(scores == mins, iota, _NUM_CODES)
    idx_ref[0, 0, :] = jnp.min(cand, axis=1)

    part = jnp.full_like(loss_ref, jnp.sum(mins))

    @pl.when(i == 0)
    def _():
        loss_ref[...] = part

    @pl.when(i > 0)
    def _():
        loss_ref[...] = loss_ref[...] + part

    @pl.when(i == _GRID - 1)
    def _():
        loss_ref[...] = loss_ref[...] / (_ROWS * _EMBED)


def _tc_argmin(flat_x, W):
    return pl.pallas_call(
        _tc_body,
        grid=(_GRID,),
        in_specs=[
            pl.BlockSpec((_BLK, _EMBED), lambda i: (i, 0)),
            pl.BlockSpec((_NUM_CODES, _EMBED), lambda i: (0, 0)),
        ],
        out_specs=[
            pl.BlockSpec((1, 1, _BLK), lambda i: (i, 0, 0)),
            pl.BlockSpec((1, 1), lambda i: (0, 0)),
        ],
        out_shape=[
            jax.ShapeDtypeStruct((_GRID, 1, _BLK), jnp.int32),
            jax.ShapeDtypeStruct((1, 1), jnp.float32),
        ],
    )(flat_x, W)


def _sc_gather(W, idx):
    info = plsc.get_sparse_core_info()
    nc, ns = info.num_cores, info.num_subcores
    rows_per_tile = _ROWS // (nc * ns)
    mesh = plsc.VectorSubcoreMesh(core_axis_name="c", subcore_axis_name="s")

    half = rows_per_tile // 2

    @functools.partial(
        pl.kernel,
        mesh=mesh,
        out_type=(
            jax.ShapeDtypeStruct((_ROWS, _EMBED), jnp.float32),
            jax.ShapeDtypeStruct((_ROWS, _EMBED), jnp.float32),
        ),
        scratch_types=[
            pltpu.VMEM((half,), jnp.int32),
            pltpu.VMEM((half,), jnp.int32),
            pltpu.VMEM((half, _EMBED), jnp.float32),
            pltpu.VMEM((half, _EMBED), jnp.float32),
            pltpu.SemaphoreType.DMA,
            pltpu.SemaphoreType.DMA,
        ],
    )
    def k(w_hbm, idx_hbm, out_hbm, out2_hbm, idx_v0, idx_v1, rows_v0, rows_v1,
          sem0, sem1):
        wid = lax.axis_index("s") * nc + lax.axis_index("c")
        base = wid * rows_per_tile
        pltpu.sync_copy(idx_hbm.at[pl.ds(base, half)], idx_v0)
        c0 = pltpu.async_copy(w_hbm.at[idx_v0], rows_v0, sem0)
        pltpu.sync_copy(idx_hbm.at[pl.ds(base + half, half)], idx_v1)
        c1 = pltpu.async_copy(w_hbm.at[idx_v1], rows_v1, sem1)
        c0.wait()
        pltpu.sync_copy(rows_v0, out_hbm.at[pl.ds(base, half)])
        pltpu.sync_copy(rows_v0, out2_hbm.at[pl.ds(base, half)])
        c1.wait()
        pltpu.sync_copy(rows_v1, out_hbm.at[pl.ds(base + half, half)])
        pltpu.sync_copy(rows_v1, out2_hbm.at[pl.ds(base + half, half)])

    return k(W, idx)


def kernel(inputs, W):
    flat_x = inputs.reshape(-1, _EMBED)
    idx, loss_acc = _tc_argmin(flat_x, W)
    idx = idx.reshape(_ROWS)
    loss = loss_acc[0, 0]
    quantized, quantized_out = _sc_gather(W, idx)
    quantized = quantized.reshape(inputs.shape)
    quantized_out = quantized_out.reshape(inputs.shape)
    encoding_indices = idx.reshape(inputs.shape[:-1])
    return quantized_out, loss, loss, quantized, encoding_indices

# --- scband reference (transcript-rebuilt; emitter-appended) ---
"""Pipeline reference for scband-vector-quantizer-23974507446366 (READ-ONLY COPY).

The authoritative reference and input builder live on the scoring server;
editing this copy changes nothing except your own understanding.
"""

import jax, jax.numpy as jnp
import numpy as np

NUM_CODES = 1024
EMBED_DIM = 256

def setup_inputs(seed: int = 0) -> dict:
    key = jax.random.key(seed)
    k1, k2 = jax.random.split(key)
    inputs = jax.random.normal(k1, (16, 576, EMBED_DIM), dtype=jnp.float32)
    W = jax.random.uniform(k2, (NUM_CODES, EMBED_DIM), dtype=jnp.float32,
                           minval=-1.0 / NUM_CODES, maxval=1.0 / NUM_CODES)
    return {"inputs": inputs, "W": W}

def reference(inputs, W):
    flat_input = inputs.reshape(-1, EMBED_DIM)
    distances = (jnp.sum(flat_input ** 2, axis=1, keepdims=True)
                 + jnp.sum(W ** 2, axis=1)
                 - 2.0 * jnp.matmul(flat_input, W.T))
    encoding_indices = jnp.argmin(distances, axis=1)
    encodings = jax.nn.one_hot(encoding_indices, NUM_CODES, dtype=jnp.float32)
    quantized = jnp.matmul(encodings, W).reshape(inputs.shape)
    q_latent_loss = jnp.mean((quantized - jax.lax.stop_gradient(inputs)) ** 2)
    e_latent_loss = jnp.mean((jax.lax.stop_gradient(quantized) - inputs) ** 2)
    quantized_out = inputs + jax.lax.stop_gradient(quantized - inputs)
    return (quantized_out, q_latent_loss, e_latent_loss, quantized,
            encoding_indices.reshape(inputs.shape[:-1]))

if __name__ == "__main__":
    import jax
    _d = setup_inputs()
    print(jax.jit(kernel)(*tuple(_d.values())))

</pallas_src>

<mosaic_0001>
#map = affine_map<(d0, d1) -> (0, 0)>
#map1 = affine_map<(d0, d1) -> (0)>
module attributes {stable_mosaic.version = 14 : i64} {
  func.func @k(%arg0: i32, %arg1: i32, %arg2: memref<1024x256xf32, #tpu.memory_space<hbm>>, %arg3: memref<9216xi32, #tpu.memory_space<hbm>>, %arg4: memref<9216x256xf32, #tpu.memory_space<hbm>>, %arg5: memref<9216x256xf32, #tpu.memory_space<hbm>>, %arg6: memref<144xi32, #tpu.memory_space<vmem>>, %arg7: memref<144xi32, #tpu.memory_space<vmem>>, %arg8: memref<144x256xf32, #tpu.memory_space<vmem>>, %arg9: memref<144x256xf32, #tpu.memory_space<vmem>>, %arg10: memref<!tpu.dma_semaphore, #tpu.memory_space<semaphore_mem>>, %arg11: memref<!tpu.dma_semaphore, #tpu.memory_space<semaphore_mem>>) attributes {dimension_semantics = [#tpu.dimension_semantics<core_parallel>, #tpu.dimension_semantics<subcore_parallel>], iteration_bounds = array<i64: 2, 16>, scalar_prefetch = 0 : i64, scratch_operands = 6 : i64, tpu.core_type = #tpu.core_type<sc_vector_subcore>, window_params = [{transform_indices = #map}, {transform_indices = #map1}, {transform_indices = #map}, {transform_indices = #map}]} {
    %mul3A = arith.constant 2 : i32
    %mul3A_0 = arith.muli %arg1, %mul3A : i32
    %add3A = arith.addi %mul3A_0, %arg0 : i32
    %mul3A_1 = arith.constant 288 : i32
    %mul3A_2 = arith.muli %add3A, %mul3A_1 : i32
    "tpu.region"() ({
      %run_scoped3A = tpu.sem_alloc : memref<!tpu.dma_semaphore, #tpu.memory_space<semaphore_mem>>
      %dma_start3A_19 = tpu.memref_slice %arg3[%mul3A_2] : memref<9216xi32, #tpu.memory_space<hbm>> -> memref<144xi32, #tpu.memory_space<hbm>>
      %dma_start3A_20 = tpu.memref_slice %arg3[%mul3A_2] : memref<9216xi32, #tpu.memory_space<hbm>> -> memref<144xi32, #tpu.memory_space<hbm>>
      tpu.enqueue_dma source(%dma_start3A_20 : memref<144xi32, #tpu.memory_space<hbm>>) target(%arg6 : memref<144xi32, #tpu.memory_space<vmem>>) target_semaphore(%run_scoped3A : memref<!tpu.dma_semaphore, #tpu.memory_space<semaphore_mem>>)
      %dma_wait3A_21 = tpu.memref_slice %arg3[%mul3A_2] : memref<9216xi32, #tpu.memory_space<hbm>> -> memref<144xi32, #tpu.memory_space<hbm>>
      %dma_wait3A_22 = tpu.memref_slice %arg3[%mul3A_2] : memref<9216xi32, #tpu.memory_space<hbm>> -> memref<144xi32, #tpu.memory_space<hbm>>
      tpu.wait_dma2 semaphore(%run_scoped3A : memref<!tpu.dma_semaphore, #tpu.memory_space<semaphore_mem>>) src(%dma_wait3A_22 : memref<144xi32, #tpu.memory_space<hbm>>) dst(%arg6 : memref<144xi32, #tpu.memory_space<vmem>>)
      tpu.yield
    }) : () -> ()
    %dma_start3A = arith.constant 0 : i32
    %dma_start3A_3 = arith.constant 0 : i32
    %dma_start3A_4 = tpu.memref_slice %arg2[%dma_start3A, %dma_start3A_3] : memref<1024x256xf32, #tpu.memory_space<hbm>> -> memref<1024x256xf32, #tpu.memory_space<hbm>>
    tpu.enqueue_indirect_dma source(%dma_start3A_4 : memref<1024x256xf32, #tpu.memory_space<hbm>>) target(%arg8 : memref<144x256xf32, #tpu.memory_space<vmem>>) offsets(%arg6 : memref<144xi32, #tpu.memory_space<vmem>>) semaphore(%arg10 : memref<!tpu.dma_semaphore, #tpu.memory_space<semaphore_mem>>)
    %add3A_5 = arith.constant 144 : i32
    %add3A_6 = arith.addi %mul3A_2, %add3A_5 : i32
    "tpu.region"() ({
      %run_scoped3A = tpu.sem_alloc : memref<!tpu.dma_semaphore, #tpu.memory_space<semaphore_mem>>
      %dma_start3A_19 = tpu.memref_slice %arg3[%add3A_6] : memref<9216xi32, #tpu.memory_space<hbm>> -> memref<144xi32, #tpu.memory_space<hbm>>
      %dma_start3A_20 = tpu.memref_slice %arg3[%add3A_6] : memref<9216xi32, #tpu.memory_space<hbm>> -> memref<144xi32, #tpu.memory_space<hbm>>
      tpu.enqueue_dma source(%dma_start3A_20 : memref<144xi32, #tpu.memory_space<hbm>>) target(%arg7 : memref<144xi32, #tpu.memory_space<vmem>>) target_semaphore(%run_scoped3A : memref<!tpu.dma_semaphore, #tpu.memory_space<semaphore_mem>>)
      %dma_wait3A_21 = tpu.memref_slice %arg3[%add3A_6] : memref<9216xi32, #tpu.memory_space<hbm>> -> memref<144xi32, #tpu.memory_space<hbm>>
      %dma_wait3A_22 = tpu.memref_slice %arg3[%add3A_6] : memref<9216xi32, #tpu.memory_space<hbm>> -> memref<144xi32, #tpu.memory_space<hbm>>
      tpu.wait_dma2 semaphore(%run_scoped3A : memref<!tpu.dma_semaphore, #tpu.memory_space<semaphore_mem>>) src(%dma_wait3A_22 : memref<144xi32, #tpu.memory_space<hbm>>) dst(%arg7 : memref<144xi32, #tpu.memory_space<vmem>>)
      tpu.yield
    }) : () -> ()
    %dma_start3A_7 = arith.constant 0 : i32
    %dma_start3A_8 = arith.constant 0 : i32
    %dma_start3A_9 = tpu.memref_slice %arg2[%dma_start3A_7, %dma_start3A_8] : memref<1024x256xf32, #tpu.memory_space<hbm>> -> memref<1024x256xf32, #tpu.memory_space<hbm>>
    tpu.enqueue_indirect_dma source(%dma_start3A_9 : memref<1024x256xf32, #tpu.memory_space<hbm>>) target(%arg9 : memref<144x256xf32, #tpu.memory_space<vmem>>) offsets(%arg7 : memref<144xi32, #tpu.memory_space<vmem>>) semaphore(%arg11 : memref<!tpu.dma_semaphore, #tpu.memory_space<semaphore_mem>>)
    %dma_wait3A = arith.constant 0 : i32
    %dma_wait3A_10 = arith.constant 0 : i32
    %dma_wait3A_11 = tpu.memref_slice %arg2[%dma_wait3A, %dma_wait3A_10] : memref<1024x256xf32, #tpu.memory_space<hbm>> -> memref<1024x256xf32, #tpu.memory_space<hbm>>
    tpu.wait_indirect_dma semaphore(%arg10 : memref<!tpu.dma_semaphore, #tpu.memory_space<semaphore_mem>>) src(%dma_wait3A_11 : memref<1024x256xf32, #tpu.memory_space<hbm>>) dst(%arg8 : memref<144x256xf32, #tpu.memory_space<vmem>>)
    "tpu.region"() ({
      %run_scoped3A = tpu.sem_alloc : memref<!tpu.dma_semaphore, #tpu.memory_space<semaphore_mem>>
      %dma_start3A_19 = arith.constant 0 : i32
      %dma_start3A_20 = tpu.memref_slice %arg4[%mul3A_2, %dma_start3A_19] : memref<9216x256xf32, #tpu.memory_space<hbm>> -> memref<144x256xf32, #tpu.memory_space<hbm>>
      %dma_start3A_21 = arith.constant 0 : i32
      %dma_start3A_22 = tpu.memref_slice %arg4[%mul3A_2, %dma_start3A_21] : memref<9216x256xf32, #tpu.memory_space<hbm>> -> memref<144x256xf32, #tpu.memory_space<hbm>>
      tpu.enqueue_dma source(%arg8 : memref<144x256xf32, #tpu.memory_space<vmem>>) target(%dma_start3A_22 : memref<144x256xf32, #tpu.memory_space<hbm>>) target_semaphore(%run_scoped3A : memref<!tpu.dma_semaphore, #tpu.memory_space<semaphore_mem>>)
      %dma_wait3A_23 = arith.constant 0 : i32
      %dma_wait3A_24 = tpu.memref_slice %arg4[%mul3A_2, %dma_wait3A_23] : memref<9216x256xf32, #tpu.memory_space<hbm>> -> memref<144x256xf32, #tpu.memory_space<hbm>>
      %dma_wait3A_25 = arith.constant 0 : i32
      %dma_wait3A_26 = tpu.memref_slice %arg4[%mul3A_2, %dma_wait3A_25] : memref<9216x256xf32, #tpu.memory_space<hbm>> -> memref<144x256xf32, #tpu.memory_space<hbm>>
      tpu.wait_dma2 semaphore(%run_scoped3A : memref<!tpu.dma_semaphore, #tpu.memory_space<semaphore_mem>>) src(%arg8 : memref<144x256xf32, #tpu.memory_space<vmem>>) dst(%dma_wait3A_26 : memref<144x256xf32, #tpu.memory_space<hbm>>)
      tpu.yield
    }) : () -> ()
    "tpu.region"() ({
      %run_scoped3A = tpu.sem_alloc : memref<!tpu.dma_semaphore, #tpu.memory_space<semaphore_mem>>
      %dma_start3A_19 = arith.constant 0 : i32
      %dma_start3A_20 = tpu.memref_slice %arg5[%mul3A_2, %dma_start3A_19] : memref<9216x256xf32, #tpu.memory_space<hbm>> -> memref<144x256xf32, #tpu.memory_space<hbm>>
      %dma_start3A_21 = arith.constant 0 : i32
      %dma_start3A_22 = tpu.memref_slice %arg5[%mul3A_2, %dma_start3A_21] : memref<9216x256xf32, #tpu.memory_space<hbm>> -> memref<144x256xf32, #tpu.memory_space<hbm>>
      tpu.enqueue_dma source(%arg8 : memref<144x256xf32, #tpu.memory_space<vmem>>) target(%dma_start3A_22 : memref<144x256xf32, #tpu.memory_space<hbm>>) target_semaphore(%run_scoped3A : memref<!tpu.dma_semaphore, #tpu.memory_space<semaphore_mem>>)
      %dma_wait3A_23 = arith.constant 0 : i32
      %dma_wait3A_24 = tpu.memref_slice %arg5[%mul3A_2, %dma_wait3A_23] : memref<9216x256xf32, #tpu.memory_space<hbm>> -> memref<144x256xf32, #tpu.memory_space<hbm>>
      %dma_wait3A_25 = arith.constant 0 : i32
      %dma_wait3A_26 = tpu.memref_slice %arg5[%mul3A_2, %dma_wait3A_25] : memref<9216x256xf32, #tpu.memory_space<hbm>> -> memref<144x256xf32, #tpu.memory_space<hbm>>
      tpu.wait_dma2 semaphore(%run_scoped3A : memref<!tpu.dma_semaphore, #tpu.memory_space<semaphore_mem>>) src(%arg8 : memref<144x256xf32, #tpu.memory_space<vmem>>) dst(%dma_wait3A_26 : memref<144x256xf32, #tpu.memory_space<hbm>>)
      tpu.yield
    }) : () -> ()
    %dma_wait3A_12 = arith.constant 0 : i32
    %dma_wait3A_13 = arith.constant 0 : i32
    %dma_wait3A_14 = tpu.memref_slice %arg2[%dma_wait3A_12, %dma_wait3A_13] : memref<1024x256xf32, #tpu.memory_space<hbm>> -> memref<1024x256xf32, #tpu.memory_space<hbm>>
    tpu.wait_indirect_dma semaphore(%arg11 : memref<!tpu.dma_semaphore, #tpu.memory_space<semaphore_mem>>) src(%dma_wait3A_14 : memref<1024x256xf32, #tpu.memory_space<hbm>>) dst(%arg9 : memref<144x256xf32, #tpu.memory_space<vmem>>)
    %add3A_15 = arith.constant 144 : i32
    %add3A_16 = arith.addi %mul3A_2, %add3A_15 : i32
    "tpu.region"() ({
      %run_scoped3A = tpu.sem_alloc : memref<!tpu.dma_semaphore, #tpu.memory_space<semaphore_mem>>
      %dma_start3A_19 = arith.constant 0 : i32
      %dma_start3A_20 = tpu.memref_slice %arg4[%add3A_16, %dma_start3A_19] : memref<9216x256xf32, #tpu.memory_space<hbm>> -> memref<144x256xf32, #tpu.memory_space<hbm>>
      %dma_start3A_21 = arith.constant 0 : i32
      %dma_start3A_22 = tpu.memref_slice %arg4[%add3A_16, %dma_start3A_21] : memref<9216x256xf32, #tpu.memory_space<hbm>> -> memref<144x256xf32, #tpu.memory_space<hbm>>
      tpu.enqueue_dma source(%arg9 : memref<144x256xf32, #tpu.memory_space<vmem>>) target(%dma_start3A_22 : memref<144x256xf32, #tpu.memory_space<hbm>>) target_semaphore(%run_scoped3A : memref<!tpu.dma_semaphore, #tpu.memory_space<semaphore_mem>>)
      %dma_wait3A_23 = arith.constant 0 : i32
      %dma_wait3A_24 = tpu.memref_slice %arg4[%add3A_16, %dma_wait3A_23] : memref<9216x256xf32, #tpu.memory_space<hbm>> -> memref<144x256xf32, #tpu.memory_space<hbm>>
      %dma_wait3A_25 = arith.constant 0 : i32
      %dma_wait3A_26 = tpu.memref_slice %arg4[%add3A_16, %dma_wait3A_25] : memref<9216x256xf32, #tpu.memory_space<hbm>> -> memref<144x256xf32, #tpu.memory_space<hbm>>
      tpu.wait_dma2 semaphore(%run_scoped3A : memref<!tpu.dma_semaphore, #tpu.memory_space<semaphore_mem>>) src(%arg9 : memref<144x256xf32, #tpu.memory_space<vmem>>) dst(%dma_wait3A_26 : memref<144x256xf32, #tpu.memory_space<hbm>>)
      tpu.yield
    }) : () -> ()
    %add3A_17 = arith.constant 144 : i32
    %add3A_18 = arith.addi %mul3A_2, %add3A_17 : i32
    "tpu.region"() ({
      %run_scoped3A = tpu.sem_alloc : memref<!tpu.dma_semaphore, #tpu.memory_space<semaphore_mem>>
      %dma_start3A_19 = arith.constant 0 : i32
      %dma_start3A_20 = tpu.memref_slice %arg5[%add3A_18, %dma_start3A_19] : memref<9216x256xf32, #tpu.memory_space<hbm>> -> memref<144x256xf32, #tpu.memory_space<hbm>>
      %dma_start3A_21 = arith.constant 0 : i32
      %dma_start3A_22 = tpu.memref_slice %arg5[%add3A_18, %dma_start3A_21] : memref<9216x256xf32, #tpu.memory_space<hbm>> -> memref<144x256xf32, #tpu.memory_space<hbm>>
      tpu.enqueue_dma source(%arg9 : memref<144x256xf32, #tpu.memory_space<vmem>>) target(%dma_start3A_22 : memref<144x256xf32, #tpu.memory_space<hbm>>) target_semaphore(%run_scoped3A : memref<!tpu.dma_semaphore, #tpu.memory_space<semaphore_mem>>)
      %dma_wait3A_23 = arith.constant 0 : i32
      %dma_wait3A_24 = tpu.memref_slice %arg5[%add3A_18, %dma_wait3A_23] : memref<9216x256xf32, #tpu.memory_space<hbm>> -> memref<144x256xf32, #tpu.memory_space<hbm>>
      %dma_wait3A_25 = arith.constant 0 : i32
      %dma_wait3A_26 = tpu.memref_slice %arg5[%add3A_18, %dma_wait3A_25] : memref<9216x256xf32, #tpu.memory_space<hbm>> -> memref<144x256xf32, #tpu.memory_space<hbm>>
      tpu.wait_dma2 semaphore(%run_scoped3A : memref<!tpu.dma_semaphore, #tpu.memory_space<semaphore_mem>>) src(%arg9 : memref<144x256xf32, #tpu.memory_space<vmem>>) dst(%dma_wait3A_26 : memref<144x256xf32, #tpu.memory_space<hbm>>)
      tpu.yield
    }) : () -> ()
    return
  }
}

module attributes {stable_mosaic.version = 14 : i64} {
  func.func @_tc_body(%arg0: i32, %arg1: memref<4608x256xf32, #tpu.memory_space<vmem>>, %arg2: memref<1024x256xf32, #tpu.memory_space<vmem>>, %arg3: memref<1x1x4608xi32, #tpu.memory_space<vmem>>, %arg4: memref<1x1xf32, #tpu.memory_space<vmem>>) attributes {dimension_semantics = [#tpu.dimension_semantics<arbitrary>], iteration_bounds = array<i64: 2>, scalar_prefetch = 0 : i64, scratch_operands = 0 : i64, tpu.core_type = #tpu.core_type<tc>, window_params = [{transform_indices = @transform_0, window_bounds = array<i64: 4608, 256>}, {pipeline_mode = #tpu.pipeline_mode<synchronous>, transform_indices = @transform_1, window_bounds = array<i64: 1024, 256>}, {transform_indices = @transform_2, window_bounds = array<i64: 1, 1, 4608>}, {pipeline_mode = #tpu.pipeline_mode<synchronous>, transform_indices = @transform_3, window_bounds = array<i64: 1, 1>}]} {
    %get3A = arith.constant 0 : index
    %get3A_0 = arith.constant 0 : index
    %get3A_1 = vector.load %arg1[%get3A, %get3A_0] : memref<4608x256xf32, #tpu.memory_space<vmem>>, vector<4608x256xf32>
    %get3A_2 = arith.constant 0 : index
    %get3A_3 = arith.constant 0 : index
    %get3A_4 = vector.load %arg2[%get3A_2, %get3A_3] : memref<1024x256xf32, #tpu.memory_space<vmem>>, vector<1024x256xf32>
    %mul3A = arith.mulf %get3A_1, %get3A_1 : vector<4608x256xf32>
    %reduce_sum3A = arith.constant dense<0.000000e+00> : vector<4608xf32>
    %reduce_sum3A_5 = vector.multi_reduction <add>, %mul3A, %reduce_sum3A [1] : vector<4608x256xf32> to vector<4608xf32>
    %broadcast_in_dim3A = vector.shape_cast %reduce_sum3A_5 : vector<4608xf32> to vector<4608x1xf32>
    %mul3A_6 = arith.mulf %get3A_4, %get3A_4 : vector<1024x256xf32>
    %reduce_sum3A_7 = arith.constant dense<0.000000e+00> : vector<1024xf32>
    %reduce_sum3A_8 = vector.multi_reduction <add>, %mul3A_6, %reduce_sum3A_7 [1] : vector<1024x256xf32> to vector<1024xf32>
    %add3A = arith.addf %get3A_4, %get3A_4 : vector<1024x256xf32>
    %dot_general3A = arith.constant dense<0.000000e+00> : vector<4608x1024xf32>
    %dot_general3A_9 = tpu.matmul %get3A_1, %add3A, %dot_general3A {dimension_numbers = #tpu.dot_dimension_numbers<[1], [1], [0], [0], [0, 0, 1, 0], [], []>, transpose_lhs_hint = false} : vector<4608x256xf32>, vector<1024x256xf32>, vector<4608x1024xf32> -> vector<4608x1024xf32>
    %broadcast_in_dim3A_10 = vector.shape_cast %reduce_sum3A_8 : vector<1024xf32> to vector<1x1024xf32>
    %add3A_11 = vector.broadcast %broadcast_in_dim3A : vector<4608x1xf32> to vector<4608x1024xf32>
    %add3A_12 = vector.broadcast %broadcast_in_dim3A_10 : vector<1x1024xf32> to vector<4608x1024xf32>
    %add3A_13 = arith.addf %add3A_11, %add3A_12 : vector<4608x1024xf32>
    %sub3A = arith.subf %add3A_13, %dot_general3A_9 : vector<4608x1024xf32>
    %reduce_min3A = arith.constant dense<0x7F800000> : vector<4608xf32>
    %reduce_min3A_14 = vector.multi_reduction <minimumf>, %sub3A, %reduce_min3A [1] : vector<4608x1024xf32> to vector<4608xf32>
    %broadcast_in_dim3A_15 = vector.shape_cast %reduce_min3A_14 : vector<4608xf32> to vector<4608x1xf32>
    %iota3A = tpu.iota {dimensions = array<i32: 1>} : vector<4608x1024xi32>
    %eq3A = vector.broadcast %broadcast_in_dim3A_15 : vector<4608x1xf32> to vector<4608x1024xf32>
    %eq3A_16 = arith.cmpf oeq, %sub3A, %eq3A : vector<4608x1024xf32>
    %jit3A = arith.constant 1024 : i32
    %broadcast_in_dim3A_17 = vector.broadcast %jit3A : i32 to vector<4608x1024xi32>
    %select_n3A = arith.select %eq3A_16, %iota3A, %broadcast_in_dim3A_17 : vector<4608x1024xi1>, vector<4608x1024xi32>
    %reduce_min3A_18 = arith.constant dense<2147483647> : vector<4608xi32>
    %reduce_min3A_19 = vector.multi_reduction <minsi>, %select_n3A, %reduce_min3A_18 [1] : vector<4608x1024xi32> to vector<4608xi32>
    %swap3A = arith.constant 0 : index
    %swap3A_20 = arith.constant 0 : index
    %swap3A_21 = arith.constant 0 : index
    %swap3A_22 = vector.load %arg3[%swap3A, %swap3A_20, %swap3A_21] : memref<1x1x4608xi32, #tpu.memory_space<vmem>>, vector<1x1x4608xi32>
    %swap3A_23 = vector.shape_cast %swap3A_22 : vector<1x1x4608xi32> to vector<4608xi32>
    %swap3A_24 = vector.shape_cast %reduce_min3A_19 : vector<4608xi32> to vector<1x1x4608xi32>
    tpu.vector_store %arg3[%swap3A, %swap3A_20, %swap3A_21], %swap3A_24 {strides = array<i32>} : memref<1x1x4608xi32, #tpu.memory_space<vmem>>, vector<1x1x4608xi32>,
    %reduce_sum3A_25 = vector.shape_cast %broadcast_in_dim3A_15 : vector<4608x1xf32> to vector<1x4608x1xf32>
    %reduce_sum3A_26 = arith.constant dense<0.000000e+00> : vector<1xf32>
    %reduce_sum3A_27 = vector.multi_reduction <add>, %reduce_sum3A_25, %reduce_sum3A_26 [1, 2] : vector<1x4608x1xf32> to vector<1xf32>
    %reduce_sum3A_28 = vector.shape_cast %reduce_sum3A_27 : vector<1xf32> to vector<1x1x1xf32>
    %reduce_sum3A_29 = vector.extract %reduce_sum3A_28[0, 0, 0] : f32 from vector<1x1x1xf32>
    %broadcast_in_dim3A_30 = vector.broadcast %reduce_sum3A_29 : f32 to vector<1x1xf32>
    %eq3A_31 = arith.constant 0 : i32
    %eq3A_32 = arith.cmpi eq, %arg0, %eq3A_31 : i32
    %convert_element_type3A = arith.extui %eq3A_32 : i1 to i32
    %cond3A = arith.constant 0 : i32
    %cond3A_33 = arith.cmpi ne, %convert_element_type3A, %cond3A : i32
    scf.if %cond3A_33 {
      %swap3A_43 = arith.constant 0 : index
      %swap3A_44 = arith.constant 0 : index
      %swap3A_45 = vector.load %arg4[%swap3A_43, %swap3A_44] : memref<1x1xf32, #tpu.memory_space<vmem>>, vector<1x1xf32>
      tpu.vector_store %arg4[%swap3A_43, %swap3A_44], %broadcast_in_dim3A_30 {strides = array<i32>} : memref<1x1xf32, #tpu.memory_space<vmem>>, vector<1x1xf32>,
    } else {
    }
    %gt3A = arith.constant 0 : i32
    %gt3A_34 = arith.cmpi sgt, %arg0, %gt3A : i32
    %convert_element_type3A_35 = arith.extui %gt3A_34 : i1 to i32
    %cond3A_36 = arith.constant 0 : i32
    %cond3A_37 = arith.cmpi ne, %convert_element_type3A_35, %cond3A_36 : i32
    scf.if %cond3A_37 {
      %get3A_43 = arith.constant 0 : index
      %get3A_44 = arith.constant 0 : index
      %get3A_45 = vector.load %arg4[%get3A_43, %get3A_44] : memref<1x1xf32, #tpu.memory_space<vmem>>, vector<1x1xf32>
      %add3A_46 = arith.addf %get3A_45, %broadcast_in_dim3A_30 : vector<1x1xf32>
      %swap3A_47 = arith.constant 0 : index
      %swap3A_48 = arith.constant 0 : index
      %swap3A_49 = vector.load %arg4[%swap3A_47, %swap3A_48] : memref<1x1xf32, #tpu.memory_space<vmem>>, vector<1x1xf32>
      tpu.vector_store %arg4[%swap3A_47, %swap3A_48], %add3A_46 {strides = array<i32>} : memref<1x1xf32, #tpu.memory_space<vmem>>, vector<1x1xf32>,
    } else {
    }
    %eq3A_38 = arith.constant 1 : i32
    %eq3A_39 = arith.cmpi eq, %arg0, %eq3A_38 : i32
    %convert_element_type3A_40 = arith.extui %eq3A_39 : i1 to i32
    %cond3A_41 = arith.constant 0 : i32
    %cond3A_42 = arith.cmpi ne, %convert_element_type3A_40, %cond3A_41 : i32
    scf.if %cond3A_42 {
      %get3A_43 = arith.constant 0 : index
      %get3A_44 = arith.constant 0 : index
      %get3A_45 = vector.load %arg4[%get3A_43, %get3A_44] : memref<1x1xf32, #tpu.memory_space<vmem>>, vector<1x1xf32>
      %div3A = arith.constant 0x4A100000 : f32
      %div3A_46 = vector.broadcast %div3A : f32 to vector<1x1xf32>
      %div3A_47 = arith.divf %get3A_45, %div3A_46 : vector<1x1xf32>
      %swap3A_48 = arith.constant 0 : index
      %swap3A_49 = arith.constant 0 : index
      %swap3A_50 = vector.load %arg4[%swap3A_48, %swap3A_49] : memref<1x1xf32, #tpu.memory_space<vmem>>, vector<1x1xf32>
      tpu.vector_store %arg4[%swap3A_48, %swap3A_49], %div3A_47 {strides = array<i32>} : memref<1x1xf32, #tpu.memory_space<vmem>>, vector<1x1xf32>,
    } else {
    }
    return
  }
  func.func @transform_0(%arg0: i32) -> (i32, i32) {
    %c0_i32 = arith.constant 0 : i32
    %c0_i32_0 = arith.constant 0 : i32
    return %arg0, %c0_i32 : i32, i32
  }
  func.func @transform_1(%arg0: i32) -> (i32, i32) {
    %c0_i32 = arith.constant 0 : i32
    %c0_i32_0 = arith.constant 0 : i32
    %c0_i32_1 = arith.constant 0 : i32
    return %c0_i32, %c0_i32_0 : i32, i32
  }
  func.func @transform_2(%arg0: i32) -> (i32, i32, i32) {
    %c0_i32 = arith.constant 0 : i32
    %c0_i32_0 = arith.constant 0 : i32
    %c0_i32_1 = arith.constant 0 : i32
    return %arg0, %c0_i32, %c0_i32_0 : i32, i32, i32
  }
  func.func @transform_3(%arg0: i32) -> (i32, i32) {
    %c0_i32 = arith.constant 0 : i32
    %c0_i32_0 = arith.constant 0 : i32
    %c0_i32_1 = arith.constant 0 : i32
    return %c0_i32, %c0_i32_0 : i32, i32
  }
}

</mosaic_0001>

<sc_bundles>
// kernel: kernel.4.cloned.1.call-start
scs
__scs_entry_jumppad:
0x0: {  	(pc) =	sbr.rel $0x88, $3  }
0x1: {  	(tag) =	ssettag $0x0;
	lr =	simm.s32 $0x1  }
0x2: {  	[smem:$0x3F9F] =	sst lr;
	_ =	strace $0xD0000000  }
0x3: {  	_ = 	snop  }
0x4: {  	_ = 	snop  }
0x5: {  	_ = 	snop  }
0x6: {  	_ = 	snop  }
0x7: {  	_ = 	snop  }
__scs_overlays_trampoline_lowered:
0x8: {  	[smem:$0x3FAE] =	sst s0  }
0x9: {  	[smem:$0x3FAF] =	sst s1  }
0xa: {  	[smem:$0x3FB0] =	sst s2  }
0xb: {  	[smem:$0x3FB1] =	sst s3  }
0xc: {  	[smem:$0x3FB2] =	sst s4  }
0xd: {  	[smem:$0x3FB3] =	sst s5  }
0xe: {  	[smem:$0x3FB4] =	sst s6  }
0xf: {  	[smem:$0x3FB5] =	sst s7  }
0x10: {  	[smem:$0x3FB6] =	sst s8  }
0x11: {  	[smem:$0x3FB7] =	sst s9;
	s0 =	simm.s32 @!p0 $0x0  }
0x12: {  	s1 =	sld [smem:$0x3F9D];
	s0 =	simm.s32 @p0 $0x1  }
0x13: {  	[smem:$0x3FB8] =	sst s0;
	s0 =	simm.s32 @!p1 $0x0  }
0x14: {  	s2 =	sld [smem:$0x3F9C];
	s0 =	simm.s32 @p1 $0x1  }
0x15: {  	[smem:$0x3FB9] =	sst s0;
	s0 =	simm.s32 @!p2 $0x0  }
0x16: {  	s3 =	sld [smem:$0x3FDB];
	s0 =	simm.s32 @p2 $0x1  }
0x17: {  	s4 =	simm.s32 $0x1BF5;
	[smem:$0x3FBB] =	sst s0  }
0x18: {  	s0 =	sld [smem:$0x3F9E];
	_ =	swait.ge [sflag:s4], $0x0  }
0x19: {  	s7 =	sld [smem:$0x3F9F]  }
0x1a: {  	s8 =	sadd.s32 $0xFFFFE003, lr  }
0x1b: {  	s9 =	sadd.s32 $0xFFFFFEF7, lr;
	s5 =	simm.s32 $0xFFFFFFFF;
	p2 =	slt.u32 s8, $0xFFFFF086  }
0x1c: {  	p1 =	slt.u32 s9, $0xF7A;
	s5 =	simm.s32 @!p2 $0x0  }
0x1d: {  	s5 =	simm.s32 @p1 $0x1;
	p0 =	seq.s32 s7, s2  }
0x1e: {  	s7 =	smul.u32 @!p0 $0xF7A, s2;
	p2 =	seq.s32 @!p0 s5, $0x0  }
0x1f: {  	s9 =	smul.u32 $0xF7A, s1;
	s8 =	simm.s32 @!p0 $0x1BF5;
	p2 =	por !p2, p0  }
0x20: {  	[sflag:s8] =	ssyncset.s32 @!p0 $0xFFFFF086;
	s6 =	sadd.s32 @!p0 s3, s7;
	s7 =	simm.s32 @!p0 $0x108  }
0x21: {  	s3 =	sadd.s32 s3, s9;
	s6 =	sadd.s32 @!p0 $0x88, s6;
	s7 =	simm.s32 @p2 $0x1082  }
0x22: {  	[simem:s7], [sflag:s8] =	dma.local @!p0 [hbm:s6], $0xF7A  }
0x23: {  	s9 =	sor.u32 $0xD0000000, s2;
	s6 =	simm.s32 $0x108;
	_ =	swait.ge @!p0 [sflag:s8], $0x0  }
0x24: {  	s3 =	sadd.s32 $0x88, s3;
	s6 =	simm.s32 @!p1 $0x1082;
	[sflag:s4] =	ssyncset.s32 $0xFFFFF086  }
0x25: {  	[simem:s6], [sflag:s4] =	dma.local [hbm:s3], $0xF7A  }
0x26: {  	[smem:$0x3F9F] =	sst s1;
	(tag) =	ssettag s2;
	_ =	strace s9  }
0x27: {  	s1 =	sld [smem:$0x3FAF]  }
0x28: {  	s2 =	sld [smem:$0x3FB0]  }
0x29: {  	s4 =	sld [smem:$0x3FB2]  }
0x2a: {  	p0 =	seq.s32 s5, $0x0;
	s5 =	sld [smem:$0x3FB3]  }
0x2b: {  	s6 =	sld [smem:$0x3FB4]  }
0x2c: {  	s7 =	sld [smem:$0x3FB5]  }
0x2d: {  	s3 =	simm.s32 $0x108;
	s8 =	sld [smem:$0x3FB6]  }
0x2e: {  	s3 =	simm.s32 @!p0 $0x1082;
	s9 =	sld [smem:$0x3FB7]  }
0x2f: {  	lr =	sadd.s32 s0, s3;
	s0 =	sld [smem:$0x3FAE]  }
0x30: {  	s3 =	sld [smem:$0x3FB1]  }
0x31: {  	[smem:$0x3FBA] =	sst s10  }
0x32: {  	s10 =	sld [smem:$0x3FB8];
	_ =	sdelay $0x3  }
0x33: {  	p0 =	seq.s32 s10, $0x1;
	s10 =	sld [smem:$0x3FBA];
	_ =	sdelay $0x3  }
0x34: {  	[smem:$0x3FBA] =	sst s10  }
0x35: {  	s10 =	sld [smem:$0x3FB9];
	_ =	sdelay $0x3  }
0x36: {  	p1 =	seq.s32 s10, $0x1;
	s10 =	sld [smem:$0x3FBA];
	_ =	sdelay $0x3  }
0x37: {  	[smem:$0x3FBA] =	sst s10  }
0x38: {  	s10 =	sld [smem:$0x3FBB]  }
0x39: {  	_ = 	snop;
	(pc) =	sbr.ind lr, $3  }
0x3a: {  	_ = 	snop  }
0x3b: {  	_ = 	snop  }
0x3c: {  	p2 =	seq.s32 s10, $0x1;
	s10 =	sld [smem:$0x3FBA]  }
0x3d: {  	_ =	shalt  }
0x3e: {  	_ =	shalt  }
0x3f: {  	_ =	shalt  }
0x40: {  	_ =	shalt  }
0x41: {  	_ =	shalt  }
0x42: {  	_ =	shalt  }
0x43: {  	_ =	shalt  }
0x44: {  	_ =	shalt  }
0x45: {  	_ =	shalt  }
0x46: {  	_ =	shalt  }
0x47: {  	_ =	shalt  }
0x48: {  	_ =	shalt  }
0x49: {  	_ =	shalt  }
0x4a: {  	_ =	shalt  }
0x4b: {  	_ =	shalt  }
0x4c: {  	_ =	shalt  }
0x4d: {  	_ =	shalt  }
0x4e: {  	_ =	shalt  }
0x4f: {  	_ =	shalt  }
0x50: {  	_ =	shalt  }
0x51: {  	_ =	shalt  }
0x52: {  	_ =	shalt  }
0x53: {  	_ =	shalt  }
0x54: {  	_ =	shalt  }
0x55: {  	_ =	shalt  }
0x56: {  	_ =	shalt  }
0x57: {  	_ =	shalt  }
0x58: {  	_ =	shalt  }
0x59: {  	_ =	shalt  }
0x5a: {  	_ =	shalt  }
0x5b: {  	_ =	shalt  }
0x5c: {  	_ =	shalt  }
0x5d: {  	_ =	shalt  }
0x5e: {  	_ =	shalt  }
0x5f: {  	_ =	shalt  }
0x60: {  	_ =	shalt  }
0x61: {  	_ =	shalt  }
0x62: {  	_ =	shalt  }
0x63: {  	_ =	shalt  }
0x64: {  	_ =	shalt  }
0x65: {  	_ =	shalt  }
0x66: {  	_ =	shalt  }
0x67: {  	_ =	shalt  }
0x68: {  	_ =	shalt  }
0x69: {  	_ =	shalt  }
0x6a: {  	_ =	shalt  }
0x6b: {  	_ =	shalt  }
0x6c: {  	_ =	shalt  }
0x6d: {  	_ =	shalt  }
0x6e: {  	_ =	shalt  }
0x6f: {  	_ =	shalt  }
0x70: {  	_ =	shalt  }
0x71: {  	_ =	shalt  }
0x72: {  	_ =	shalt  }
0x73: {  	_ =	shalt  }
0x74: {  	_ =	shalt  }
0x75: {  	_ =	shalt  }
0x76: {  	_ =	shalt  }
0x77: {  	_ =	shalt  }
0x78: {  	_ =	shalt  }
0x79: {  	_ =	shalt  }
0x7a: {  	_ =	shalt  }
0x7b: {  	_ =	shalt  }
0x7c: {  	_ =	shalt  }
0x7d: {  	_ =	shalt  }
0x7e: {  	_ =	shalt  }
0x7f: {  	_ =	shalt  }
0x80: {  	_ =	shalt  }
0x81: {  	_ =	shalt  }
0x82: {  	_ =	shalt  }
0x83: {  	_ =	shalt  }
0x84: {  	_ =	shalt  }
0x85: {  	_ =	shalt  }
0x86: {  	_ =	shalt  }
0x87: {  	_ =	shalt  }
.Lfunc_end0:
.L_simem_size_0:
called_computation_lowered:
.L_overlay_start_0:
0x88: {  	s2 =	sld [smem:$0x3FD9]  }
0x89: {  	s3 =	sld [smem:$0x3FFE];
	_ =	sdelay $0x1  }
0x8a: {  	s1 =	srdreg.scid  }
0x8b: {  	s0 =	sand.u32 $0x1, s1  }
0x8c: {  	s14 =	sshll.u32 s0, $0xA;
	s2 =	sadd.s32 s3, s2  }
0x8d: {  	s2 =	sadd.s32 s2, s14  }
0x8e: {  	[smem:$0x3FC6] =	sst s2  }
0x8f: {  	_ = 	snop  }
0x90: {  	s2 =	sld [smem:$0x3FD0];
	_ =	sdelay $0x2  }
0x91: {  	s4 =	simm.s32 $0xA;
	s5 =	simm.s32 $0x10;
	s15 =	sld [smem:$0x3FC8]  }
0x92: {  	[smem:s5], [sflag:s4] =	dma.local [hbm:s2], $0x1  }
0x93: {  	_ =	swait.eq [sflag:s4], $0x1  }
0x94: {  	[sflag:s4] =	ssyncset.done $0x0  }
0x95: {  	s16 =	sld [smem:$0x10];
	[sflag:s4] =	ssyncadd.s32 $0xFFFFFFFF  }
0x96: {  	s17 =	sld [smem:$0x13];
	(tm) =	ssettm $0x1  }
0x97: {  	s18 =	sld [smem:$0x3FFB];
	_ =	sdelay $0x3  }
0x98: {  	_ =	strace s18  }
0x99: {  	s5 =	sld [smem:$0x3FFC];
	_ =	sdelay $0x3  }
0x9a: {  	_ =	strace s5  }
0x9b: {  	s5 =	sld [smem:$0x3FFD];
	_ =	sdelay $0x3  }
0x9c: {  	_ =	strace s5  }
0x9d: {  	_ =	strace $0x8FFFFFFF  }
0x9e: {  	s19 =	sld [smem:$0x3FDB];
	_ =	sdelay $0x1  }
0x9f: {  	s6 =	simm.s32 $_scs_section_size  }
0xa0: {  	s7 =	simm.s32 $_size__tile_overlayer_lowered;
	s8 =	simm.s32 $_tile_overlayer_lowered  }
0xa1: {  	s22 =	simm.s32 $0x1BFF;
	s21 =	sshll.u32 s8, $0x1;
	s5 =	sadd.s32 s6, s19  }
0xa2: {  	s9 =	simm.s32 $0x0;
	s20 =	sshll.u32 s7, $0x1;
	s7 =	sadd.s32 s21, s5  }
0xa3: {  	[timem:s9], [sflag:s22] =	dma.local [hbm:s7], s20  }
0xa4: {  	_ =	swait.ge [sflag:s22], s20  }
0xa5: {  	s6 =	ssub.s32 $0x0, s20;
	[sflag:s22] =	ssyncset.done $0x0  }
0xa6: {  	[sflag:s22] =	ssyncadd.s32 s6;
	_ =	sdelay $0x1  }
0xa7: {  	s23 =	simm.s32 $0x1B8B  }
0xa8: {  	_ =	swait.ge [sflag:s23], $0x1  }
0xa9: {  	[sflag:s23] =	ssyncset.done $0x0  }
0xaa: {  	s25 =	simm.s32 $0x1B8E;
	s24 =	sld [smem:$0x3FFE];
	[sflag:s23] =	ssyncadd.s32 $0xFFFFFFFF  }
0xab: {  	s26 =	simm.s32 $execute0_lowered;
	[smem:$0x3FD2] =	sst s25  }
0xac: {  	s7 =	sshll.u32 s26, $0x1;
	_ =	strace $0x80000046;
	[dreg:$0x1] =	wrdreg $0xFFFFFFFF  }
0xad: {  	s28 =	simm.s32 $_size_execute0_lowered;
	s5 =	sadd.s32 s5, s7;
	[dreg:$0x0] =	wrdreg $0x0  }
0xae: {  	s7 =	sshll.u32 s28, $0x1;
	[dreg:$0x2] =	wrdreg s5  }
0xaf: {  	[dreg:$0x3] =	wrdreg s7  }
0xb0: {  	[dreg:$0x4] =	wrdreg $0xC0  }
0xb1: {  	_ =	task [dreg:s9], $0x5FFFF  }
0xb2: {  	[dreg:$0x1] =	wrdreg $0xFFFFFFFF  }
0xb3: {  	[dreg:$0x0] =	wrdreg $0x60  }
0xb4: {  	[dreg:$0x2] =	wrdreg s15  }
0xb5: {  	[dreg:$0x3] =	wrdreg s24  }
0xb6: {  	[dreg:$0x4] =	wrdreg s17  }
0xb7: {  	[dreg:$0x5] =	wrdreg s16  }
0xb8: {  	[dreg:$0x6] =	wrdreg $0x9  }
0xb9: {  	_ =	task.clear_ibuf [dreg:s9], $0x7FFFF;
	_ =	strace $0x90000046  }
0xba: {  	s29 =	simm.s32 $0x9;
	_ =	strace $0x80000048  }
0xbb: {  	_ =	swait.ge [sflag:s29], $0x1  }
0xbc: {  	[sflag:s29] =	ssyncadd.s32 $0xFFFFFFFF  }
0xbd: {  	_ =	strace $0x90000048  }
0xbe: {  	_ =	sfence  }
0xbf: {  	s30 =	sld [smem:$0x0];
	_ =	sdelay $0x2  }
0xc0: {  	s31 =	sshll.u32 s1, $0xD;
	s1 =	sshrl.u32 s1, $0x2  }
0xc1: {  	s3 =	sand.u32 $0x4000, s31;
	s1 =	sadd.s32 s1, s30  }
0xc2: {  	s0 =	sor.u32 s3, s0;
	s1 =	sshll.u32 s1, $0x11  }
0xc3: {  	s0 =	sor.u32 s1, s0  }
0xc4: {  	s0 =	sadd.s32 $0x8F2B, s0  }
0xc5: {  	[sflag:s0] =	ssyncadd.remote.s32 $0x1  }
0xc6: {  	_ =	sfence.sel $0xFFFF  }
0xc7: {  	[dreg:$0x0] =	wrdreg $0xFFFFFFFF;
	(pc) =	sbr.abs _section_cstart, $3  }
0xc8: {  	[dreg:$0x1] =	wrdreg $0xFFFFFFFF  }
0xc9: {  	_ =	task.clear_ibuf [dreg:s9], $0x2FFFF;
	_ =	strace $0x9FFFFFFF  }
0xca: {  	(tm) =	ssettm $0x7FFFFFFF  }
0xcb: {  	_ =	shalt  }
tec
execute0_lowered:
.L_overlay_start_1:
0x0: {  	(tag) =	ssettag $0x1  }
0x1: {  	s1 =	rddreg [dreg:$0x0]  }
0x2: {  	s2 =	rddreg [dreg:$0x1]  }
0x3: {  	s4 =	rddreg [dreg:$0x2];
	s3 =	srdreg.scid  }
0x4: {  	s5 =	rddreg [dreg:$0x3];
	s6 =	sand.u32 $0x1, s3;
	s3 =	simm.s32 $0x0  }
0x5: {  	s12 =	simm.s32 $0xA00;
	[smem:$0x7FF] =	sst s3  }
0x6: {  	s13 =	simm.s32 $0x1200;
	_ =	strace $0x80000047;
	[dreg:$0xb] =	wrdreg s12  }
0x7: {  	s0 =	stileid.u32;
	s14 =	simm.s32 $0x1A00;
	[dreg:$0xc] =	wrdreg s13  }
0x8: {  	s15 =	simm.s32 $0x2200;
	s16 =	simm.s32 $0x2A00;
	[dreg:$0xd] =	wrdreg s14  }
0x9: {  	s17 =	simm.s32 $0x3200;
	s18 =	simm.s32 $0x3A00;
	[dreg:$0xe] =	wrdreg s15  }
0xa: {  	s19 =	simm.s32 $0x4200;
	s21 =	simm.s32 $0x4A00;
	[dreg:$0xf] =	wrdreg s16  }
0xb: {  	s23 =	simm.s32 $0x5200;
	s24 =	simm.s32 $0x5A00;
	[dreg:$0x10] =	wrdreg s17  }
0xc: {  	s25 =	simm.s32 $0x6200;
	s26 =	simm.s32 $0x6A00;
	[dreg:$0x11] =	wrdreg s18  }
0xd: {  	s28 =	simm.s32 $0x10A00;
	s29 =	simm.s32 $0x11200;
	[dreg:$0x12] =	wrdreg s19  }
0xe: {  	s30 =	simm.s32 $0x11A00;
	s31 =	simm.s32 $0x1;
	[dreg:$0x13] =	wrdreg s21  }
0xf: {  	s7 =	sshll.u32 s0, $0x1;
	s2 =	sadd.s32 $0xC00, s2;
	[dreg:$0x14] =	wrdreg s23  }
0x10: {  	s7 =	sor.u32 s6, s7;
	s20 =	ssub.s32 $0x2, s6;
	[dreg:$0x15] =	wrdreg s24  }
0x11: {  	s6 =	simm.s32 $0x200;
	s8 =	smul.u32 $0x120, s7;
	[dreg:$0x16] =	wrdreg s25  }
0x12: {  	s7 =	smul.u32 $0x2400, s7;
	s22 =	sshrl.u32 s20, $0x1;
	[dreg:$0x17] =	wrdreg s26  }
0x13: {  	s12 =	simm.s32 $0x9200;
	s13 =	simm.s32 $0x9A00;
	s14 =	simm.s32 $0xA200  }
0x14: {  	s15 =	simm.s32 $0xAA00;
	s16 =	simm.s32 $0xB200;
	s17 =	simm.s32 $0xBA00  }
0x15: {  	s18 =	simm.s32 $0xC200;
	s19 =	simm.s32 $0xCA00;
	s21 =	simm.s32 $0xDA00  }
0x16: {  	s23 =	simm.s32 $0xEA00;
	s24 =	simm.s32 $0xF200;
	s25 =	simm.s32 $0xFA00  }
0x17: {  	s26 =	simm.s32 $0x10200;
	s9 =	sshrl.u32 s8, $0x3;
	s0 =	sadd.s32 s4, s7  }
0x18: {  	s8 =	sadd.s32 $0x90, s8;
	s7 =	sadd.s32 s5, s7;
	[dreg:$0x7] =	wrdreg s0  }
0x19: {  	s9 =	sadd.s32 s2, s9;
	s10 =	sshrl.u32 s8, $0x3;
	[dreg:$0x8] =	wrdreg s7  }
0x1a: {  	[dreg:$0x5] =	wrdreg s9;
	s2 =	sadd.s32 s2, s10;
	s9 =	sshll.u32 s8, $0x5  }
0x1b: {  	s8 =	simm.s32 $0x7A00;
	[dreg:$0x6] =	wrdreg s2;
	s10 =	sadd.s32 s4, s9  }
0x1c: {  	s11 =	sadd.s32 s5, s9;
	s4 =	ssub.s32 s20, s22;
	s5 =	simm.s32 $0x3  }
0x1d: {  	v2 =	vlaneseq.u32;
	s9 =	simm.s32 $0x8200;
	s20 =	simm.s32 $0xD200;
	[dreg:$0x9] =	wrdreg s10  }
0x1e: {  	vm0 =	vmmov $0xffff;
	v1 =	vshrl.u32 v2, $0x3;
	s22 =	simm.s32 $0xE200;
	s2 =	simm.s32 $0x2;
	[dreg:$0xa] =	wrdreg s11  }
0x1f: {  	v0 =	vand.u32 $0x7, v2;
	v2 =	vor.u32 $0x8, v2;
	v1 =	vmul.u32 $0x8, v1;
	s4 =	smax.u32 s4, $0x1;
	s10 =	simm.s32 $0x8A00;
	s11 =	simm.s32 $0x100  }
.LBB2_1:
0x20: {  	s0 =	rddreg [dreg:$0x5]  }
0x21: {  	[tilespmem:s3], [sflag:$0x3] =	stream.linear.gather [hbm4b:s0+s3], $0x90, $0x38;
	[tilespmem:$0x12200] =	vst v63  }
0x22: {  	_ =	swait.ge [sflag:s5], $0x90  }
0x23: {  	[sflag:s5] =	ssyncset.done $0x0  }
0x24: {  	[sflag:s5] =	ssyncadd.s32 $0xFFFFFF70  }
0x25: {  	v3 =	vld [tilespmem:$0x0];
	_ =	sdelay $0x4  }
0x26: {  	v4 =	vshll.u32 v3, $0x1  }
0x27: {  	v3 =	vand.u32 $0x7, v3;
	v4 =	vand.u32 $0xFFFFFFF0, v4  }
0x28: {  	v3 =	vor.u32 v3, v4  }
0x29: {  	v4 =	vperm.xlane v3, v0;
	_ =	sdelay $0x1  }
0x2a: {  	v3 =	vperm.xlane v3, v2;
	v4 =	vadd.s32 v1, v4;
	_ =	sdelay $0x1  }
0x2b: {  	v3 =	vadd.s32 v1, v3;
	_ =	sdelay $0x2  }
0x2c: {  	[tilespmem:s6], [sflag:$0x1] =	stream.indirect_vreg.gather [hbm4b:s1+s3], $0x80, v4, vm0, $0xb8;
	[tilespmem:$0x12200] =	vst v63  }
0x2d: {  	s7 =	rddreg [dreg:$0xb]  }
0x2e: {  	[tilespmem:s7], [sflag:$0x1] =	stream.indirect_vreg.gather [hbm4b:s1+s3], $0x80, v3, vm0, $0xb8;
	[tilespmem:$0x12200] =	vst v63  }
0x2f: {  	v3 =	vld [tilespmem:$0x10];
	_ =	sdelay $0x4  }
0x30: {  	v47 =	vshll.u32 v3, $0x1  }
0x31: {  	v3 =	vand.u32 $0x7, v3;
	v4 =	vand.u32 $0xFFFFFFF0, v47  }
0x32: {  	v3 =	vor.u32 v3, v4  }
0x33: {  	v4 =	vperm.xlane v3, v0;
	_ =	sdelay $0x1  }
0x34: {  	v3 =	vperm.xlane v3, v2;
	v4 =	vadd.s32 v1, v4;
	_ =	sdelay $0x1  }
0x35: {  	v3 =	vadd.s32 v1, v3;
	_ =	sdelay $0x1  }
0x36: {  	s0 =	rddreg [dreg:$0xc]  }
0x37: {  	[tilespmem:s0], [sflag:$0x1] =	stream.indirect_vreg.gather [hbm4b:s1+s3], $0x80, v4, vm0, $0xb8;
	[tilespmem:$0x12200] =	vst v63  }
0x38: {  	s7 =	rddreg [dreg:$0xd]  }
0x39: {  	[tilespmem:s7], [sflag:$0x1] =	stream.indirect_vreg.gather [hbm4b:s1+s3], $0x80, v3, vm0, $0xb8;
	[tilespmem:$0x12200] =	vst v63  }
0x3a: {  	v3 =	vld [tilespmem:$0x20];
	_ =	sdelay $0x4  }
0x3b: {  	v48 =	vshll.u32 v3, $0x1  }
0x3c: {  	v3 =	vand.u32 $0x7, v3;
	v4 =	vand.u32 $0xFFFFFFF0, v48  }
0x3d: {  	v3 =	vor.u32 v3, v4  }
0x3e: {  	v4 =	vperm.xlane v3, v0;
	_ =	sdelay $0x1  }
0x3f: {  	v3 =	vperm.xlane v3, v2;
	v4 =	vadd.s32 v1, v4;
	_ =	sdelay $0x1  }
0x40: {  	v3 =	vadd.s32 v1, v3;
	_ =	sdelay $0x1  }
0x41: {  	s0 =	rddreg [dreg:$0xe]  }
0x42: {  	[tilespmem:s0], [sflag:$0x1] =	stream.indirect_vreg.gather [hbm4b:s1+s3], $0x80, v4, vm0, $0xb8;
	[tilespmem:$0x12200] =	vst v63  }
0x43: {  	s7 =	rddreg [dreg:$0xf]  }
0x44: {  	[tilespmem:s7], [sflag:$0x1] =	stream.indirect_vreg.gather [hbm4b:s1+s3], $0x80, v3, vm0, $0xb8;
	[tilespmem:$0x12200] =	vst v63  }
0x45: {  	v3 =	vld [tilespmem:$0x30];
	_ =	sdelay $0x4  }
0x46: {  	v49 =	vshll.u32 v3, $0x1  }
0x47: {  	v3 =	vand.u32 $0x7, v3;
	v4 =	vand.u32 $0xFFFFFFF0, v49  }
0x48: {  	v3 =	vor.u32 v3, v4  }
0x49: {  	v4 =	vperm.xlane v3, v0;
	_ =	sdelay $0x1  }
0x4a: {  	v3 =	vperm.xlane v3, v2;
	v4 =	vadd.s32 v1, v4;
	_ =	sdelay $0x1  }
0x4b: {  	v3 =	vadd.s32 v1, v3;
	_ =	sdelay $0x1  }
0x4c: {  	s0 =	rddreg [dreg:$0x10]  }
0x4d: {  	[tilespmem:s0], [sflag:$0x1] =	stream.indirect_vreg.gather [hbm4b:s1+s3], $0x80, v4, vm0, $0xb8;
	[tilespmem:$0x12200] =	vst v63  }
0x4e: {  	s7 =	rddreg [dreg:$0x11]  }
0x4f: {  	[tilespmem:s7], [sflag:$0x1] =	stream.indirect_vreg.gather [hbm4b:s1+s3], $0x80, v3, vm0, $0xb8;
	[tilespmem:$0x12200] =	vst v63  }
0x50: {  	v3 =	vld [tilespmem:$0x40];
	_ =	sdelay $0x4  }
0x51: {  	v50 =	vshll.u32 v3, $0x1  }
0x52: {  	v3 =	vand.u32 $0x7, v3;
	v4 =	vand.u32 $0xFFFFFFF0, v50  }
0x53: {  	v3 =	vor.u32 v3, v4  }
0x54: {  	v4 =	vperm.xlane v3, v0;
	_ =	sdelay $0x1  }
0x55: {  	v3 =	vperm.xlane v3, v2;
	v4 =	vadd.s32 v1, v4;
	_ =	sdelay $0x1  }
0x56: {  	v3 =	vadd.s32 v1, v3;
	_ =	sdelay $0x1  }
0x57: {  	s0 =	rddreg [dreg:$0x12]  }
0x58: {  	[tilespmem:s0], [sflag:$0x1] =	stream.indirect_vreg.gather [hbm4b:s1+s3], $0x80, v4, vm0, $0xb8;
	[tilespmem:$0x12200] =	vst v63  }
0x59: {  	s7 =	rddreg [dreg:$0x13]  }
0x5a: {  	[tilespmem:s7], [sflag:$0x1] =	stream.indirect_vreg.gather [hbm4b:s1+s3], $0x80, v3, vm0, $0xb8;
	[tilespmem:$0x12200] =	vst v63  }
0x5b: {  	v3 =	vld [tilespmem:$0x50];
	_ =	sdelay $0x4  }
0x5c: {  	v51 =	vshll.u32 v3, $0x1  }
0x5d: {  	v3 =	vand.u32 $0x7, v3;
	v4 =	vand.u32 $0xFFFFFFF0, v51  }
0x5e: {  	v3 =	vor.u32 v3, v4  }
0x5f: {  	v4 =	vperm.xlane v3, v0;
	_ =	sdelay $0x1  }
0x60: {  	v3 =	vperm.xlane v3, v2;
	v4 =	vadd.s32 v1, v4;
	_ =	sdelay $0x1  }
0x61: {  	v3 =	vadd.s32 v1, v3;
	_ =	sdelay $0x1  }
0x62: {  	s0 =	rddreg [dreg:$0x14]  }
0x63: {  	[tilespmem:s0], [sflag:$0x1] =	stream.indirect_vreg.gather [hbm4b:s1+s3], $0x80, v4, vm0, $0xb8;
	[tilespmem:$0x12200] =	vst v63  }
0x64: {  	s7 =	rddreg [dreg:$0x15]  }
0x65: {  	[tilespmem:s7], [sflag:$0x1] =	stream.indirect_vreg.gather [hbm4b:s1+s3], $0x80, v3, vm0, $0xb8;
	[tilespmem:$0x12200] =	vst v63  }
0x66: {  	v3 =	vld [tilespmem:$0x60];
	_ =	sdelay $0x4  }
0x67: {  	v52 =	vshll.u32 v3, $0x1  }
0x68: {  	v3 =	vand.u32 $0x7, v3;
	v4 =	vand.u32 $0xFFFFFFF0, v52  }
0x69: {  	v3 =	vor.u32 v3, v4  }
0x6a: {  	v4 =	vperm.xlane v3, v0;
	_ =	sdelay $0x1  }
0x6b: {  	v3 =	vperm.xlane v3, v2;
	v4 =	vadd.s32 v1, v4;
	_ =	sdelay $0x1  }
0x6c: {  	v3 =	vadd.s32 v1, v3;
	_ =	sdelay $0x1  }
0x6d: {  	s0 =	rddreg [dreg:$0x16]  }
0x6e: {  	[tilespmem:s0], [sflag:$0x1] =	stream.indirect_vreg.gather [hbm4b:s1+s3], $0x80, v4, vm0, $0xb8;
	[tilespmem:$0x12200] =	vst v63  }
0x6f: {  	s7 =	rddreg [dreg:$0x17]  }
0x70: {  	[tilespmem:s7], [sflag:$0x1] =	stream.indirect_vreg.gather [hbm4b:s1+s3], $0x80, v3, vm0, $0xb8;
	[tilespmem:$0x12200] =	vst v63  }
0x71: {  	v3 =	vld [tilespmem:$0x70];
	_ =	sdelay $0x4  }
0x72: {  	v53 =	vshll.u32 v3, $0x1  }
0x73: {  	v3 =	vand.u32 $0x7, v3;
	v4 =	vand.u32 $0xFFFFFFF0, v53  }
0x74: {  	v3 =	vor.u32 v3, v4  }
0x75: {  	v4 =	vperm.xlane v3, v0;
	_ =	sdelay $0x1  }
0x76: {  	v3 =	vperm.xlane v3, v2;
	v4 =	vadd.s32 v1, v4;
	_ =	sdelay $0x1  }
0x77: {  	v3 =	vadd.s32 v1, v3;
	_ =	sdelay $0x1  }
0x78: {  	s7 =	simm.s32 $0x7200  }
0x79: {  	[tilespmem:s7], [sflag:$0x1] =	stream.indirect_vreg.gather [hbm4b:s1+s3], $0x80, v4, vm0, $0xb8;
	[tilespmem:$0x12200] =	vst v63  }
0x7a: {  	_ = 	snop  }
0x7b: {  	[tilespmem:s8], [sflag:$0x1] =	stream.indirect_vreg.gather [hbm4b:s1+s3], $0x80, v3, vm0, $0xb8;
	[tilespmem:$0x12200] =	vst v63  }
0x7c: {  	v3 =	vld [tilespmem:$0x80];
	_ =	sdelay $0x4  }
0x7d: {  	v54 =	vshll.u32 v3, $0x1  }
0x7e: {  	v3 =	vand.u32 $0x7, v3;
	v4 =	vand.u32 $0xFFFFFFF0, v54  }
0x7f: {  	v3 =	vor.u32 v3, v4  }
0x80: {  	v4 =	vperm.xlane v3, v0;
	_ =	sdelay $0x1  }
0x81: {  	v3 =	vperm.xlane v3, v2;
	v4 =	vadd.s32 v1, v4;
	_ =	sdelay $0x1  }
0x82: {  	v3 =	vadd.s32 v1, v3;
	_ =	sdelay $0x2  }
0x83: {  	[tilespmem:s9], [sflag:$0x1] =	stream.indirect_vreg.gather [hbm4b:s1+s3], $0x80, v4, vm0, $0xb8;
	[tilespmem:$0x12200] =	vst v63  }
0x84: {  	_ = 	snop  }
0x85: {  	[tilespmem:s10], [sflag:$0x1] =	stream.indirect_vreg.gather [hbm4b:s1+s3], $0x80, v3, vm0, $0xb8;
	[tilespmem:$0x12200] =	vst v63  }
0x86: {  	s7 =	rddreg [dreg:$0x6]  }
0x87: {  	[tilespmem:s11], [sflag:$0x3] =	stream.linear.gather [hbm4b:s7+s3], $0x90, $0x38;
	[tilespmem:$0x12200] =	vst v63  }
0x88: {  	_ =	swait.ge [sflag:s5], $0x90  }
0x89: {  	[sflag:s5] =	ssyncset.done $0x0  }
0x8a: {  	[sflag:s5] =	ssyncadd.s32 $0xFFFFFF70  }
0x8b: {  	v3 =	vld [tilespmem:$0x100];
	_ =	sdelay $0x4  }
0x8c: {  	v55 =	vshll.u32 v3, $0x1  }
0x8d: {  	v3 =	vand.u32 $0x7, v3;
	v4 =	vand.u32 $0xFFFFFFF0, v55  }
0x8e: {  	v3 =	vor.u32 v3, v4  }
0x8f: {  	v4 =	vperm.xlane v3, v0;
	_ =	sdelay $0x1  }
0x90: {  	v3 =	vperm.xlane v3, v2;
	v4 =	vadd.s32 v1, v4;
	_ =	sdelay $0x1  }
0x91: {  	v3 =	vadd.s32 v1, v3;
	_ =	sdelay $0x2  }
0x92: {  	[tilespmem:s12], [sflag:$0x2] =	stream.indirect_vreg.gather [hbm4b:s1+s3], $0x80, v4, vm0, $0xb8;
	[tilespmem:$0x12200] =	vst v63  }
0x93: {  	_ = 	snop  }
0x94: {  	[tilespmem:s13], [sflag:$0x2] =	stream.indirect_vreg.gather [hbm4b:s1+s3], $0x80, v3, vm0, $0xb8;
	[tilespmem:$0x12200] =	vst v63  }
0x95: {  	v3 =	vld [tilespmem:$0x110];
	_ =	sdelay $0x4  }
0x96: {  	v56 =	vshll.u32 v3, $0x1  }
0x97: {  	v3 =	vand.u32 $0x7, v3;
	v4 =	vand.u32 $0xFFFFFFF0, v56  }
0x98: {  	v3 =	vor.u32 v3, v4  }
0x99: {  	v4 =	vperm.xlane v3, v0;
	_ =	sdelay $0x1  }
0x9a: {  	v3 =	vperm.xlane v3, v2;
	v4 =	vadd.s32 v1, v4;
	_ =	sdelay $0x1  }
0x9b: {  	v3 =	vadd.s32 v1, v3;
	_ =	sdelay $0x2  }
0x9c: {  	[tilespmem:s14], [sflag:$0x2] =	stream.indirect_vreg.gather [hbm4b:s1+s3], $0x80, v4, vm0, $0xb8;
	[tilespmem:$0x12200] =	vst v63  }
0x9d: {  	_ = 	snop  }
0x9e: {  	[tilespmem:s15], [sflag:$0x2] =	stream.indirect_vreg.gather [hbm4b:s1+s3], $0x80, v3, vm0, $0xb8;
	[tilespmem:$0x12200] =	vst v63  }
0x9f: {  	v3 =	vld [tilespmem:$0x120];
	_ =	sdelay $0x4  }
0xa0: {  	v57 =	vshll.u32 v3, $0x1  }
0xa1: {  	v3 =	vand.u32 $0x7, v3;
	v4 =	vand.u32 $0xFFFFFFF0, v57  }
0xa2: {  	v3 =	vor.u32 v3, v4  }
0xa3: {  	v4 =	vperm.xlane v3, v0;
	_ =	sdelay $0x1  }
0xa4: {  	v3 =	vperm.xlane v3, v2;
	v4 =	vadd.s32 v1, v4;
	_ =	sdelay $0x1  }
0xa5: {  	v3 =	vadd.s32 v1, v3;
	_ =	sdelay $0x2  }
0xa6: {  	[tilespmem:s16], [sflag:$0x2] =	stream.indirect_vreg.gather [hbm4b:s1+s3], $0x80, v4, vm0, $0xb8;
	[tilespmem:$0x12200] =	vst v63  }
0xa7: {  	_ = 	snop  }
0xa8: {  	[tilespmem:s17], [sflag:$0x2] =	stream.indirect_vreg.gather [hbm4b:s1+s3], $0x80, v3, vm0, $0xb8;
	[tilespmem:$0x12200] =	vst v63  }
0xa9: {  	v3 =	vld [tilespmem:$0x130];
	_ =	sdelay $0x4  }
0xaa: {  	v58 =	vshll.u32 v3, $0x1  }
0xab: {  	v3 =	vand.u32 $0x7, v3;
	v4 =	vand.u32 $0xFFFFFFF0, v58  }
0xac: {  	v3 =	vor.u32 v3, v4  }
0xad: {  	v4 =	vperm.xlane v3, v0;
	_ =	sdelay $0x1  }
0xae: {  	v3 =	vperm.xlane v3, v2;
	v4 =	vadd.s32 v1, v4;
	_ =	sdelay $0x1  }
0xaf: {  	v3 =	vadd.s32 v1, v3;
	_ =	sdelay $0x2  }
0xb0: {  	[tilespmem:s18], [sflag:$0x2] =	stream.indirect_vreg.gather [hbm4b:s1+s3], $0x80, v4, vm0, $0xb8;
	[tilespmem:$0x12200] =	vst v63  }
0xb1: {  	_ = 	snop  }
0xb2: {  	[tilespmem:s19], [sflag:$0x2] =	stream.indirect_vreg.gather [hbm4b:s1+s3], $0x80, v3, vm0, $0xb8;
	[tilespmem:$0x12200] =	vst v63  }
0xb3: {  	v3 =	vld [tilespmem:$0x140];
	_ =	sdelay $0x4  }
0xb4: {  	v59 =	vshll.u32 v3, $0x1  }
0xb5: {  	v3 =	vand.u32 $0x7, v3;
	v4 =	vand.u32 $0xFFFFFFF0, v59  }
0xb6: {  	v3 =	vor.u32 v3, v4  }
0xb7: {  	v4 =	vperm.xlane v3, v0;
	_ =	sdelay $0x1  }
0xb8: {  	v3 =	vperm.xlane v3, v2;
	v4 =	vadd.s32 v1, v4;
	_ =	sdelay $0x1  }
0xb9: {  	v3 =	vadd.s32 v1, v3;
	_ =	sdelay $0x2  }
0xba: {  	[tilespmem:s20], [sflag:$0x2] =	stream.indirect_vreg.gather [hbm4b:s1+s3], $0x80, v4, vm0, $0xb8;
	[tilespmem:$0x12200] =	vst v63  }
0xbb: {  	_ = 	snop  }
0xbc: {  	[tilespmem:s21], [sflag:$0x2] =	stream.indirect_vreg.gather [hbm4b:s1+s3], $0x80, v3, vm0, $0xb8;
	[tilespmem:$0x12200] =	vst v63  }
0xbd: {  	v3 =	vld [tilespmem:$0x150];
	_ =	sdelay $0x4  }
0xbe: {  	v60 =	vshll.u32 v3, $0x1  }
0xbf: {  	v3 =	vand.u32 $0x7, v3;
	v4 =	vand.u32 $0xFFFFFFF0, v60  }
0xc0: {  	v3 =	vor.u32 v3, v4  }
0xc1: {  	v4 =	vperm.xlane v3, v0;
	_ =	sdelay $0x1  }
0xc2: {  	v3 =	vperm.xlane v3, v2;
	v4 =	vadd.s32 v1, v4;
	_ =	sdelay $0x1  }
0xc3: {  	v3 =	vadd.s32 v1, v3;
	_ =	sdelay $0x2  }
0xc4: {  	[tilespmem:s22], [sflag:$0x2] =	stream.indirect_vreg.gather [hbm4b:s1+s3], $0x80, v4, vm0, $0xb8;
	[tilespmem:$0x12200] =	vst v63  }
0xc5: {  	_ = 	snop  }
0xc6: {  	[tilespmem:s23], [sflag:$0x2] =	stream.indirect_vreg.gather [hbm4b:s1+s3], $0x80, v3, vm0, $0xb8;
	[tilespmem:$0x12200] =	vst v63  }
0xc7: {  	v3 =	vld [tilespmem:$0x160];
	_ =	sdelay $0x4  }
0xc8: {  	v61 =	vshll.u32 v3, $0x1  }
0xc9: {  	v3 =	vand.u32 $0x7, v3;
	v4 =	vand.u32 $0xFFFFFFF0, v61  }
0xca: {  	v3 =	vor.u32 v3, v4  }
0xcb: {  	v4 =	vperm.xlane v3, v0;
	_ =	sdelay $0x1  }
0xcc: {  	v3 =	vperm.xlane v3, v2;
	v4 =	vadd.s32 v1, v4;
	_ =	sdelay $0x1  }
0xcd: {  	v3 =	vadd.s32 v1, v3;
	_ =	sdelay $0x2  }
0xce: {  	[tilespmem:s24], [sflag:$0x2] =	stream.indirect_vreg.gather [hbm4b:s1+s3], $0x80, v4, vm0, $0xb8;
	[tilespmem:$0x12200] =	vst v63  }
0xcf: {  	_ = 	snop  }
0xd0: {  	[tilespmem:s25], [sflag:$0x2] =	stream.indirect_vreg.gather [hbm4b:s1+s3], $0x80, v3, vm0, $0xb8;
	[tilespmem:$0x12200] =	vst v63  }
0xd1: {  	v3 =	vld [tilespmem:$0x170];
	_ =	sdelay $0x4  }
0xd2: {  	v62 =	vshll.u32 v3, $0x1  }
0xd3: {  	v3 =	vand.u32 $0x7, v3;
	v4 =	vand.u32 $0xFFFFFFF0, v62  }
0xd4: {  	v3 =	vor.u32 v3, v4  }
0xd5: {  	v4 =	vperm.xlane v3, v0;
	_ =	sdelay $0x1  }
0xd6: {  	v3 =	vperm.xlane v3, v2;
	v4 =	vadd.s32 v1, v4;
	_ =	sdelay $0x1  }
0xd7: {  	v3 =	vadd.s32 v1, v3;
	_ =	sdelay $0x2  }
0xd8: {  	[tilespmem:s26], [sflag:$0x2] =	stream.indirect_vreg.gather [hbm4b:s1+s3], $0x80, v4, vm0, $0xb8;
	[tilespmem:$0x12200] =	vst v63  }
0xd9: {  	_ = 	snop  }
0xda: {  	[tilespmem:s28], [sflag:$0x2] =	stream.indirect_vreg.gather [hbm4b:s1+s3], $0x80, v3, vm0, $0xb8;
	[tilespmem:$0x12200] =	vst v63  }
0xdb: {  	v3 =	vld [tilespmem:$0x180];
	_ =	sdelay $0x4  }
0xdc: {  	v63 =	vshll.u32 v3, $0x1  }
0xdd: {  	v3 =	vand.u32 $0x7, v3;
	v4 =	vand.u32 $0xFFFFFFF0, v63  }
0xde: {  	v3 =	vor.u32 v3, v4  }
0xdf: {  	v4 =	vperm.xlane v3, v0;
	_ =	sdelay $0x1  }
0xe0: {  	v3 =	vperm.xlane v3, v2;
	v4 =	vadd.s32 v1, v4;
	_ =	sdelay $0x1  }
0xe1: {  	v3 =	vadd.s32 v1, v3;
	_ =	sdelay $0x2  }
0xe2: {  	[tilespmem:s29], [sflag:$0x2] =	stream.indirect_vreg.gather [hbm4b:s1+s3], $0x80, v4, vm0, $0xb8;
	[tilespmem:$0x12200] =	vst v63  }
0xe3: {  	_ = 	snop  }
0xe4: {  	[tilespmem:s30], [sflag:$0x2] =	stream.indirect_vreg.gather [hbm4b:s1+s3], $0x80, v3, vm0, $0xb8;
	[tilespmem:$0x12200] =	vst v63  }
0xe5: {  	_ =	swait.ge [sflag:s31], $0x9000  }
0xe6: {  	[sflag:s31] =	ssyncset.done $0x0  }
0xe7: {  	s7 =	rddreg [dreg:$0x7];
	[sflag:s31] =	ssyncadd.s32 $0xFFFF7000  }
0xe8: {  	[hbm4b:s7+s3] =	stream.linear.scatter [tilespmem:s6], [sflag:$0x3], $0x9000, $0x38;
	[tilespmem:$0x12200] =	vst v63  }
0xe9: {  	_ =	swait.ge [sflag:s5], $0x9000  }
0xea: {  	[sflag:s5] =	ssyncset.done $0x0  }
0xeb: {  	s7 =	rddreg [dreg:$0x8];
	[sflag:s5] =	ssyncadd.s32 $0xFFFF7000  }
0xec: {  	[hbm4b:s7+s3] =	stream.linear.scatter [tilespmem:s6], [sflag:$0x3], $0x9000, $0x38;
	[tilespmem:$0x12200] =	vst v63  }
0xed: {  	_ =	swait.ge [sflag:s5], $0x9000  }
0xee: {  	[sflag:s5] =	ssyncset.done $0x0  }
0xef: {  	[sflag:s5] =	ssyncadd.s32 $0xFFFF7000  }
0xf0: {  	_ =	swait.ge [sflag:s2], $0x9000  }
0xf1: {  	[sflag:s2] =	ssyncset.done $0x0  }
0xf2: {  	s7 =	rddreg [dreg:$0x9];
	[sflag:s2] =	ssyncadd.s32 $0xFFFF7000  }
0xf3: {  	[hbm4b:s7+s3] =	stream.linear.scatter [tilespmem:s12], [sflag:$0x3], $0x9000, $0x38;
	[tilespmem:$0x12200] =	vst v63  }
0xf4: {  	_ =	swait.ge [sflag:s5], $0x9000  }
0xf5: {  	p0 =	sne.s32 s4, $0x1;
	[sflag:s5] =	ssyncset.done $0x0  }
.Ltmp0:
0xf6: {  	s7 =	rddreg [dreg:$0xa];
	[sflag:s5] =	ssyncadd.s32 $0xFFFF7000;
	(pc) =	sbr.rel @p0 .LBB2_1-.Ltmp0, $4  }
0xf7: {  	[hbm4b:s7+s3] =	stream.linear.scatter [tilespmem:s12], [sflag:$0x3], $0x9000, $0x38;
	[tilespmem:$0x12200] =	vst v63  }
0xf8: {  	_ =	swait.ge [sflag:s5], $0x9000  }
0xf9: {  	[sflag:s5] =	ssyncset.done $0x0  }
0xfa: {  	s4 =	sadd.s32 $0xFFFFFFFF, s4;
	[sflag:s5] =	ssyncadd.s32 $0xFFFF7000  }
0xfb: {  	_ =	sfence.sel $0x180000  }
0xfc: {  	[bflag:$0x0] =	sbarrier.arrive $0xFFFF  }
0xfd: {  	_ =	strace $0x90000047  }
0xfe: {  	s0 =	stileid.u32;
	[bflag:$0x2] =	sbarrier.arrive $0xFFFF  }
0xff: {  	p0 =	sne.s32 s0, $0x0;
	s0 =	rddreg [dreg:$0x4]  }
0x100: {  	s0 =	sadd.s32 @!p0 $0x100000, s0  }
0x101: {  	[sflag:s0] =	ssyncadd.tile.s32 @!p0 $0x1;
	_ =	shalt  }
.Lfunc_end2:
_tile_overlayer_lowered:
.L_overlay_start_2:
0x102: {  	(tag) =	ssettag $0x2  }
0x103: {  	s0 =	rddreg [dreg:$0x0];
	s2 =	stileid.u32  }
0x104: {  	s1 =	rddreg [dreg:$0x1];
	p0 =	sne.s32 s2, $0x0  }
0x105: {  	s3 =	rddreg [dreg:$0x2];
	[bflag:$0x3] =	sbarrier.arrive $0xFFFF;
	s2 =	simm.s32 @!p0 $0x1C03  }
0x106: {  	[timem:s3], [sflag:s2] =	dma.local @!p0 [hbm:s0], s1  }
0x107: {  	s0 =	simm.s32 @!p0 $0x3  }
0x108: {  	_ =	swait.ge @!p0 [sflag:s0], s1  }
0x109: {  	s1 =	ssub.s32 @!p0 $0x0, s1;
	[sflag:s0] =	ssyncset.done @!p0 $0x0  }
0x10a: {  	[sflag:s0] =	ssyncadd.s32 @!p0 s1  }
0x10b: {  	[bflag:$0x3] =	sbarrier.arrive $0xFFFF  }
0x10c: {  	_ =	shalt  }

</sc_bundles>
